<compile_context>
chip_gen: v7x
topology: tpu7x:2x2x1
jax: 0.10.2.dev20260603
libtpu: 0.0.44.dev20260713+nightly
codegen_flags: <defaults>
</compile_context>

<pallas_src>
import functools

import jax
import jax.numpy as jnp
from jax import lax
from jax.experimental import pallas as pl
from jax.experimental.pallas import tpu as pltpu
from jax.experimental.pallas import tpu_sc as plsc

BATCH = 8
D_IN = 768
D_CB = 64
T = 1024
K = 8192
CB_BLK = 2048
NCB = K // CB_BLK
NTOK = BATCH * T


def _project_body(z_ref, wv_ref, g_ref, b_ref, ze_out):
    v = wv_ref[:, :]
    norm = jnp.sqrt(jnp.sum(v * v, axis=1, keepdims=True))
    W = (g_ref[:, :] * v) / norm
    ze = jnp.dot(W, z_ref[0], preferred_element_type=jnp.float32)
    ze_out[0] = ze + b_ref[:, :]


def _project(z, W_in_v, g_in, b_in):
    return pl.pallas_call(
        _project_body,
        grid=(BATCH,),
        in_specs=[
            pl.BlockSpec((1, D_IN, T), lambda b: (b, 0, 0)),
            pl.BlockSpec((D_CB, D_IN), lambda b: (0, 0)),
            pl.BlockSpec((D_CB, 1), lambda b: (0, 0)),
            pl.BlockSpec((D_CB, 1), lambda b: (0, 0)),
        ],
        out_specs=pl.BlockSpec((1, D_CB, T), lambda b: (b, 0, 0)),
        out_shape=jax.ShapeDtypeStruct((BATCH, D_CB, T), jnp.float32),
    )(z, W_in_v, g_in.reshape(D_CB, 1), b_in.reshape(D_CB, 1))


def _rbf16(x):
    bu = lax.bitcast_convert_type(x, jnp.uint32)
    lsb = (bu >> 16) & jnp.uint32(1)
    r = (bu + jnp.uint32(0x7FFF) + lsb) & jnp.uint32(0xFFFF0000)
    return lax.bitcast_convert_type(r, jnp.float32)


def _argmax_body(e_ref, e2_ref, c_ref, c2_ref, o_ref, val_s, idx_s):
    j = pl.program_id(1)

    @pl.when(j == 0)
    def _():
        val_s[...] = jnp.full((1, T), jnp.inf, jnp.float32)
        idx_s[...] = jnp.zeros((1, T), jnp.int32)

    s = lax.dot_general(c_ref[...], e_ref[0], (((0,), (0,)), ((), ())),
                        preferred_element_type=jnp.float32)
    dist = e2_ref[0] - 2.0 * s + c2_ref[...]
    lmin = jnp.min(dist, axis=0, keepdims=True)
    larg = jnp.argmin(dist, axis=0).astype(jnp.int32)[None, :] + j * CB_BLK
    upd = lmin < val_s[...]
    idx_s[...] = jnp.where(upd, larg, idx_s[...])
    val_s[...] = jnp.where(upd, _rbf16(lmin), val_s[...])

    @pl.when(j == NCB - 1)
    def _():
        o_ref[0] = idx_s[...]


def _argmax(encn3, e2, cbn_t, cn2c):
    return pl.pallas_call(
        _argmax_body,
        grid=(BATCH, NCB),
        in_specs=[
            pl.BlockSpec((1, D_CB, T), lambda i, j: (i, 0, 0)),
            pl.BlockSpec((1, 1, T), lambda i, j: (i, 0, 0)),
            pl.BlockSpec((D_CB, CB_BLK), lambda i, j: (0, j)),
            pl.BlockSpec((CB_BLK, 1), lambda i, j: (j, 0)),
        ],
        out_specs=pl.BlockSpec((1, 1, T), lambda i, j: (i, 0, 0)),
        out_shape=jax.ShapeDtypeStruct((BATCH, 1, T), jnp.int32),
        scratch_shapes=[pltpu.VMEM((1, T), jnp.float32),
                        pltpu.VMEM((1, T), jnp.int32)],
    )(encn3, e2, cbn_t, cn2c)


def _sc_gather(codebook, indices_flat):
    info = plsc.get_sparse_core_info()
    NC, NS = info.num_cores, info.num_subcores
    NW = NC * NS
    per_w = NTOK // NW
    CH = 128
    nch = per_w // CH
    idx2d = indices_flat.reshape(NTOK // CH, CH)
    mesh = plsc.VectorSubcoreMesh(core_axis_name="c", subcore_axis_name="s")

    @functools.partial(
        pl.kernel,
        out_type=jax.ShapeDtypeStruct((NTOK // CH, CH, D_CB), jnp.float32),
        mesh=mesh,
        compiler_params=pltpu.CompilerParams(use_tc_tiling_on_sc=False),
        scratch_types=[
            pltpu.VMEM((nch, CH), jnp.int32),
            pltpu.VMEM((nch, CH, D_CB), jnp.float32),
            pltpu.SemaphoreType.DMA,
        ],
    )
    def gather_k(table_hbm, idx_hbm, out_hbm, idx_v, rows_v, sem):
        wid = lax.axis_index("s") * NC + lax.axis_index("c")
        base = wid * nch
        pltpu.sync_copy(idx_hbm.at[pl.ds(base, nch)], idx_v)
        cps = [pltpu.async_copy(table_hbm.at[idx_v.at[j]], rows_v.at[j], sem)
               for j in range(nch)]
        for cp in cps:
            cp.wait()
        pltpu.sync_copy(rows_v, out_hbm.at[pl.ds(base, nch)])

    rows = gather_k(codebook, idx2d)
    return rows.reshape(NTOK, D_CB)


def _decode_body(zq_ref, ze_ref, wv_ref, g_ref, b_ref,
                 out_ref, com_ref, cbl_ref):
    v = wv_ref[:, :]
    norm = jnp.sqrt(jnp.sum(v * v, axis=1, keepdims=True))
    W = (g_ref[:, :] * v) / norm
    zq = zq_ref[0]
    out = lax.dot_general(W, zq, (((1,), (1,)), ((), ())),
                          preferred_element_type=jnp.float32)
    out_ref[0] = out + b_ref[:, :]
    ze = ze_ref[0]
    m = jnp.dot(ze, zq, preferred_element_type=jnp.float32,
                precision=lax.Precision.HIGHEST)
    eye = (lax.broadcasted_iota(jnp.int32, (D_CB, D_CB), 0)
           == lax.broadcasted_iota(jnp.int32, (D_CB, D_CB), 1))
    cross = jnp.sum(jnp.where(eye, m, 0.0))
    sq = jnp.sum(ze * ze) + jnp.sum(zq * zq) - 2.0 * cross
    mse = sq / float(D_CB * T)
    com_ref[0] = jnp.full((8, 128), mse * 0.005, jnp.float32)
    cbl_ref[0] = jnp.full((8, 128), mse * 1.0, jnp.float32)


def _decode(z_q, z_e, W_out_v, g_out, b_out):
    return pl.pallas_call(
        _decode_body,
        grid=(BATCH,),
        in_specs=[
            pl.BlockSpec((1, T, D_CB), lambda b: (b, 0, 0)),
            pl.BlockSpec((1, D_CB, T), lambda b: (b, 0, 0)),
            pl.BlockSpec((D_IN, D_CB), lambda b: (0, 0)),
            pl.BlockSpec((D_IN, 1), lambda b: (0, 0)),
            pl.BlockSpec((D_IN, 1), lambda b: (0, 0)),
        ],
        out_specs=[
            pl.BlockSpec((1, D_IN, T), lambda b: (b, 0, 0)),
            pl.BlockSpec((1, 8, 128), lambda b: (b, 0, 0)),
            pl.BlockSpec((1, 8, 128), lambda b: (b, 0, 0)),
        ],
        out_shape=[
            jax.ShapeDtypeStruct((BATCH, D_IN, T), jnp.float32),
            jax.ShapeDtypeStruct((BATCH, 8, 128), jnp.float32),
            jax.ShapeDtypeStruct((BATCH, 8, 128), jnp.float32),
        ],
    )(z_q, z_e, W_out_v, g_out.reshape(D_IN, 1), b_out.reshape(D_IN, 1))


def kernel(z, W_in_v, g_in, b_in, W_out_v, g_out, b_out, codebook):
    z_e = _project(z, W_in_v, g_in, b_in)
    n3 = jnp.sqrt(jnp.sum(z_e * z_e, axis=1, keepdims=True))
    encn3 = z_e / jnp.maximum(n3, 1e-12)
    e2 = jnp.sum(encn3 * encn3, axis=1, keepdims=True)
    cnorm = jnp.sqrt(jnp.sum(codebook * codebook, axis=1, keepdims=True))
    cbn = codebook / jnp.maximum(cnorm, 1e-12)
    cn2c = jnp.sum(cbn * cbn, axis=1, keepdims=True)
    idx = _argmax(encn3, e2, cbn.T, cn2c)
    indices = idx.reshape(BATCH, T)
    z_q_flat = _sc_gather(codebook, idx.reshape(-1))
    z_q = z_q_flat.reshape(BATCH, T, D_CB)
    z_q_out, com, cbl = _decode(z_q, z_e, W_out_v, g_out, b_out)
    commit_loss = com[:, 0, 0]
    codebook_loss = cbl[:, 0, 0]
    return z_q_out, commit_loss, codebook_loss, indices, z_e

# --- scband reference (transcript-rebuilt; emitter-appended) ---
"""Pipeline reference for scband-factorized-vector-quantize-19602230739352 (READ-ONLY COPY).

The authoritative reference and input builder live on the scoring server;
editing this copy changes nothing except your own understanding.
"""

import jax, jax.numpy as jnp
import numpy as np

INPUT_DIM = 768
CODEBOOK_SIZE = 8192
CODEBOOK_DIM = 64
COMMITMENT = 0.005
CODEBOOK_LOSS_WEIGHT = 1.0
USE_L2 = True


def _normalize_rows(x):
    n = jnp.sqrt(jnp.sum(x * x, axis=1, keepdims=True))
    return x / jnp.maximum(n, 1e-12)


def _wn_conv1x1(x, v, g, b):
    # weight-normalized 1x1 conv: W[o,i] = g[o] * v[o,i] / ||v[o,:]||
    norm = jnp.sqrt(jnp.sum(v * v, axis=1, keepdims=True))
    W = (g[:, None] * v) / norm
    return jnp.einsum('oi,bit->bot', W, x) + b[None, :, None]


def _forward(z, W_in_v, g_in, b_in, W_out_v, g_out, b_out, codebook):
    z_e = _wn_conv1x1(z, W_in_v, g_in, b_in)
    B, D, T = z_e.shape
    encodings = jnp.transpose(z_e, (0, 2, 1)).reshape(-1, D)
    cb = codebook
    if USE_L2:
        encodings = _normalize_rows(encodings)
        cb = _normalize_rows(cb)
    dist = (jnp.sum(encodings * encodings, axis=1, keepdims=True)
            - 2.0 * (encodings @ cb.T)
            + jnp.sum(cb * cb, axis=1)[None, :])
    indices = jnp.argmax(-dist, axis=1).reshape(B, T)
    # decode_code uses the raw (un-normalized) codebook weight
    z_q = jnp.transpose(jnp.take(codebook, indices, axis=0), (0, 2, 1))
    commit_loss = jnp.mean((z_e - jax.lax.stop_gradient(z_q)) ** 2, axis=(1, 2)) * COMMITMENT
    codebook_loss = jnp.mean((z_q - jax.lax.stop_gradient(z_e)) ** 2, axis=(1, 2)) * CODEBOOK_LOSS_WEIGHT
    z_q_st = z_e + jax.lax.stop_gradient(z_q - z_e)
    z_q_out = _wn_conv1x1(z_q_st, W_out_v, g_out, b_out)
    return z_q_out, commit_loss, codebook_loss, indices, z_e


def setup_inputs(seed: int = 0) -> dict:
    key = jax.random.key(seed)
    ks = jax.random.split(key, 8)
    z = jax.random.normal(ks[0], (8, INPUT_DIM, 1024), dtype=jnp.float32)
    W_in_v = jax.random.normal(ks[1], (CODEBOOK_DIM, INPUT_DIM), dtype=jnp.float32) * (1.0 / np.sqrt(INPUT_DIM))
    g_in = jnp.sqrt(jnp.sum(W_in_v * W_in_v, axis=1))  # weight_norm init: g = ||v||
    b_in = jnp.zeros((CODEBOOK_DIM,), dtype=jnp.float32)
    W_out_v = jax.random.normal(ks[2], (INPUT_DIM, CODEBOOK_DIM), dtype=jnp.float32) * (1.0 / np.sqrt(CODEBOOK_DIM))
    g_out = jnp.sqrt(jnp.sum(W_out_v * W_out_v, axis=1))
    b_out = jnp.zeros((INPUT_DIM,), dtype=jnp.float32)
    codebook = jax.random.normal(ks[3], (CODEBOOK_SIZE, CODEBOOK_DIM), dtype=jnp.float32)
    return {"z": z, "W_in_v": W_in_v, "g_in": g_in, "b_in": b_in,
            "W_out_v": W_out_v, "g_out": g_out, "b_out": b_out, "codebook": codebook}


def reference(z, W_in_v, g_in, b_in, W_out_v, g_out, b_out, codebook):
    return _forward(z, W_in_v, g_in, b_in, W_out_v, g_out, b_out, codebook)

if __name__ == "__main__":
    import jax
    _d = setup_inputs()
    print(jax.jit(kernel)(*tuple(_d.values())))

</pallas_src>

<mosaic_0001>
#map = affine_map<(d0, d1) -> (0, 0)>
#map1 = affine_map<(d0, d1) -> (0, 0, 0)>
module attributes {stable_mosaic.version = 14 : i64} {
  func.func @gather_k(%arg0: i32, %arg1: i32, %arg2: memref<8192x64xf32, #tpu.memory_space<hbm>>, %arg3: memref<64x128xi32, #tpu.memory_space<hbm>>, %arg4: memref<64x128x64xf32, #tpu.memory_space<hbm>>, %arg5: memref<2x128xi32, #tpu.memory_space<vmem>>, %arg6: memref<2x128x64xf32, #tpu.memory_space<vmem>>, %arg7: memref<!tpu.dma_semaphore, #tpu.memory_space<semaphore_mem>>) attributes {dimension_semantics = [#tpu.dimension_semantics<core_parallel>, #tpu.dimension_semantics<subcore_parallel>], iteration_bounds = array<i64: 2, 16>, scalar_prefetch = 0 : i64, scratch_operands = 3 : i64, tpu.core_type = #tpu.core_type<sc_vector_subcore>, window_params = [{transform_indices = #map}, {transform_indices = #map}, {transform_indices = #map1}]} {
    %mul3A = arith.constant 2 : i32
    %mul3A_0 = arith.muli %arg1, %mul3A : i32
    %add3A = arith.addi %mul3A_0, %arg0 : i32
    %mul3A_1 = arith.constant 2 : i32
    %mul3A_2 = arith.muli %add3A, %mul3A_1 : i32
    "tpu.region"() ({
      %run_scoped3A = tpu.sem_alloc : memref<!tpu.dma_semaphore, #tpu.memory_space<semaphore_mem>>
      %dma_start3A_49 = arith.constant 0 : i32
      %dma_start3A_50 = tpu.memref_slice %arg3[%mul3A_2, %dma_start3A_49] : memref<64x128xi32, #tpu.memory_space<hbm>> -> memref<2x128xi32, #tpu.memory_space<hbm>>
      %dma_start3A_51 = arith.constant 0 : i32
      %dma_start3A_52 = tpu.memref_slice %arg3[%mul3A_2, %dma_start3A_51] : memref<64x128xi32, #tpu.memory_space<hbm>> -> memref<2x128xi32, #tpu.memory_space<hbm>>
      tpu.enqueue_dma source(%dma_start3A_52 : memref<2x128xi32, #tpu.memory_space<hbm>>) target(%arg5 : memref<2x128xi32, #tpu.memory_space<vmem>>) target_semaphore(%run_scoped3A : memref<!tpu.dma_semaphore, #tpu.memory_space<semaphore_mem>>)
      %dma_wait3A_53 = arith.constant 0 : i32
      %dma_wait3A_54 = tpu.memref_slice %arg3[%mul3A_2, %dma_wait3A_53] : memref<64x128xi32, #tpu.memory_space<hbm>> -> memref<2x128xi32, #tpu.memory_space<hbm>>
      %dma_wait3A_55 = arith.constant 0 : i32
      %dma_wait3A_56 = tpu.memref_slice %arg3[%mul3A_2, %dma_wait3A_55] : memref<64x128xi32, #tpu.memory_space<hbm>> -> memref<2x128xi32, #tpu.memory_space<hbm>>
      tpu.wait_dma2 semaphore(%run_scoped3A : memref<!tpu.dma_semaphore, #tpu.memory_space<semaphore_mem>>) src(%dma_wait3A_56 : memref<2x128xi32, #tpu.memory_space<hbm>>) dst(%arg5 : memref<2x128xi32, #tpu.memory_space<vmem>>)
      tpu.yield
    }) : () -> ()
    %dma_start3A = arith.constant 0 : i32
    %dma_start3A_3 = arith.constant 0 : i32
    %dma_start3A_4 = arith.constant 0 : i32
    %dma_start3A_5 = arith.constant 0 : i32
    %dma_start3A_6 = tpu.memref_slice %arg6[%dma_start3A_3, %dma_start3A_4, %dma_start3A_5] : memref<2x128x64xf32, #tpu.memory_space<vmem>> -> memref<1x128x64xf32, #tpu.memory_space<vmem>>
    %dma_start3A_7 = tpu.memref_squeeze %dma_start3A_6 : memref<1x128x64xf32, #tpu.memory_space<vmem>> -> memref<128x64xf32, #tpu.memory_space<vmem>>
    %dma_start3A_8 = arith.constant 0 : i32
    %dma_start3A_9 = tpu.memref_slice %arg5[%dma_start3A, %dma_start3A_8] : memref<2x128xi32, #tpu.memory_space<vmem>> -> memref<1x128xi32, #tpu.memory_space<vmem>>
    %dma_start3A_10 = tpu.memref_squeeze %dma_start3A_9 : memref<1x128xi32, #tpu.memory_space<vmem>> -> memref<128xi32, #tpu.memory_space<vmem>>
    %dma_start3A_11 = arith.constant 0 : i32
    %dma_start3A_12 = arith.constant 0 : i32
    %dma_start3A_13 = tpu.memref_slice %arg2[%dma_start3A_11, %dma_start3A_12] : memref<8192x64xf32, #tpu.memory_space<hbm>> -> memref<8192x64xf32, #tpu.memory_space<hbm>>
    tpu.enqueue_indirect_dma source(%dma_start3A_13 : memref<8192x64xf32, #tpu.memory_space<hbm>>) target(%dma_start3A_7 : memref<128x64xf32, #tpu.memory_space<vmem>>) offsets(%dma_start3A_10 : memref<128xi32, #tpu.memory_space<vmem>>) semaphore(%arg7 : memref<!tpu.dma_semaphore, #tpu.memory_space<semaphore_mem>>)
    %dma_start3A_14 = arith.constant 1 : i32
    %dma_start3A_15 = arith.constant 1 : i32
    %dma_start3A_16 = arith.constant 0 : i32
    %dma_start3A_17 = arith.constant 0 : i32
    %dma_start3A_18 = tpu.memref_slice %arg6[%dma_start3A_15, %dma_start3A_16, %dma_start3A_17] : memref<2x128x64xf32, #tpu.memory_space<vmem>> -> memref<1x128x64xf32, #tpu.memory_space<vmem>>
    %dma_start3A_19 = tpu.memref_squeeze %dma_start3A_18 : memref<1x128x64xf32, #tpu.memory_space<vmem>> -> memref<128x64xf32, #tpu.memory_space<vmem>>
    %dma_start3A_20 = arith.constant 0 : i32
    %dma_start3A_21 = tpu.memref_slice %arg5[%dma_start3A_14, %dma_start3A_20] : memref<2x128xi32, #tpu.memory_space<vmem>> -> memref<1x128xi32, #tpu.memory_space<vmem>>
    %dma_start3A_22 = tpu.memref_squeeze %dma_start3A_21 : memref<1x128xi32, #tpu.memory_space<vmem>> -> memref<128xi32, #tpu.memory_space<vmem>>
    %dma_start3A_23 = arith.constant 0 : i32
    %dma_start3A_24 = arith.constant 0 : i32
    %dma_start3A_25 = tpu.memref_slice %arg2[%dma_start3A_23, %dma_start3A_24] : memref<8192x64xf32, #tpu.memory_space<hbm>> -> memref<8192x64xf32, #tpu.memory_space<hbm>>
    tpu.enqueue_indirect_dma source(%dma_start3A_25 : memref<8192x64xf32, #tpu.memory_space<hbm>>) target(%dma_start3A_19 : memref<128x64xf32, #tpu.memory_space<vmem>>) offsets(%dma_start3A_22 : memref<128xi32, #tpu.memory_space<vmem>>) semaphore(%arg7 : memref<!tpu.dma_semaphore, #tpu.memory_space<semaphore_mem>>)
    %dma_wait3A = arith.constant 0 : i32
    %dma_wait3A_26 = arith.constant 0 : i32
    %dma_wait3A_27 = arith.constant 0 : i32
    %dma_wait3A_28 = arith.constant 0 : i32
    %dma_wait3A_29 = tpu.memref_slice %arg6[%dma_wait3A_26, %dma_wait3A_27, %dma_wait3A_28] : memref<2x128x64xf32, #tpu.memory_space<vmem>> -> memref<1x128x64xf32, #tpu.memory_space<vmem>>
    %dma_wait3A_30 = tpu.memref_squeeze %dma_wait3A_29 : memref<1x128x64xf32, #tpu.memory_space<vmem>> -> memref<128x64xf32, #tpu.memory_space<vmem>>
    %dma_wait3A_31 = arith.constant 0 : i32
    %dma_wait3A_32 = tpu.memref_slice %arg5[%dma_wait3A, %dma_wait3A_31] : memref<2x128xi32, #tpu.memory_space<vmem>> -> memref<1x128xi32, #tpu.memory_space<vmem>>
    %dma_wait3A_33 = tpu.memref_squeeze %dma_wait3A_32 : memref<1x128xi32, #tpu.memory_space<vmem>> -> memref<128xi32, #tpu.memory_space<vmem>>
    %dma_wait3A_34 = arith.constant 0 : i32
    %dma_wait3A_35 = arith.constant 0 : i32
    %dma_wait3A_36 = tpu.memref_slice %arg2[%dma_wait3A_34, %dma_wait3A_35] : memref<8192x64xf32, #tpu.memory_space<hbm>> -> memref<8192x64xf32, #tpu.memory_space<hbm>>
    tpu.wait_indirect_dma semaphore(%arg7 : memref<!tpu.dma_semaphore, #tpu.memory_space<semaphore_mem>>) src(%dma_wait3A_36 : memref<8192x64xf32, #tpu.memory_space<hbm>>) dst(%dma_wait3A_30 : memref<128x64xf32, #tpu.memory_space<vmem>>)
    %dma_wait3A_37 = arith.constant 1 : i32
    %dma_wait3A_38 = arith.constant 1 : i32
    %dma_wait3A_39 = arith.constant 0 : i32
    %dma_wait3A_40 = arith.constant 0 : i32
    %dma_wait3A_41 = tpu.memref_slice %arg6[%dma_wait3A_38, %dma_wait3A_39, %dma_wait3A_40] : memref<2x128x64xf32, #tpu.memory_space<vmem>> -> memref<1x128x64xf32, #tpu.memory_space<vmem>>
    %dma_wait3A_42 = tpu.memref_squeeze %dma_wait3A_41 : memref<1x128x64xf32, #tpu.memory_space<vmem>> -> memref<128x64xf32, #tpu.memory_space<vmem>>
    %dma_wait3A_43 = arith.constant 0 : i32
    %dma_wait3A_44 = tpu.memref_slice %arg5[%dma_wait3A_37, %dma_wait3A_43] : memref<2x128xi32, #tpu.memory_space<vmem>> -> memref<1x128xi32, #tpu.memory_space<vmem>>
    %dma_wait3A_45 = tpu.memref_squeeze %dma_wait3A_44 : memref<1x128xi32, #tpu.memory_space<vmem>> -> memref<128xi32, #tpu.memory_space<vmem>>
    %dma_wait3A_46 = arith.constant 0 : i32
    %dma_wait3A_47 = arith.constant 0 : i32
    %dma_wait3A_48 = tpu.memref_slice %arg2[%dma_wait3A_46, %dma_wait3A_47] : memref<8192x64xf32, #tpu.memory_space<hbm>> -> memref<8192x64xf32, #tpu.memory_space<hbm>>
    tpu.wait_indirect_dma semaphore(%arg7 : memref<!tpu.dma_semaphore, #tpu.memory_space<semaphore_mem>>) src(%dma_wait3A_48 : memref<8192x64xf32, #tpu.memory_space<hbm>>) dst(%dma_wait3A_42 : memref<128x64xf32, #tpu.memory_space<vmem>>)
    "tpu.region"() ({
      %run_scoped3A = tpu.sem_alloc : memref<!tpu.dma_semaphore, #tpu.memory_space<semaphore_mem>>
      %dma_start3A_49 = arith.constant 0 : i32
      %dma_start3A_50 = arith.constant 0 : i32
      %dma_start3A_51 = tpu.memref_slice %arg4[%mul3A_2, %dma_start3A_49, %dma_start3A_50] : memref<64x128x64xf32, #tpu.memory_space<hbm>> -> memref<2x128x64xf32, #tpu.memory_space<hbm>>
      %dma_start3A_52 = arith.constant 0 : i32
      %dma_start3A_53 = arith.constant 0 : i32
      %dma_start3A_54 = tpu.memref_slice %arg4[%mul3A_2, %dma_start3A_52, %dma_start3A_53] : memref<64x128x64xf32, #tpu.memory_space<hbm>> -> memref<2x128x64xf32, #tpu.memory_space<hbm>>
      tpu.enqueue_dma source(%arg6 : memref<2x128x64xf32, #tpu.memory_space<vmem>>) target(%dma_start3A_54 : memref<2x128x64xf32, #tpu.memory_space<hbm>>) target_semaphore(%run_scoped3A : memref<!tpu.dma_semaphore, #tpu.memory_space<semaphore_mem>>)
      %dma_wait3A_55 = arith.constant 0 : i32
      %dma_wait3A_56 = arith.constant 0 : i32
      %dma_wait3A_57 = tpu.memref_slice %arg4[%mul3A_2, %dma_wait3A_55, %dma_wait3A_56] : memref<64x128x64xf32, #tpu.memory_space<hbm>> -> memref<2x128x64xf32, #tpu.memory_space<hbm>>
      %dma_wait3A_58 = arith.constant 0 : i32
      %dma_wait3A_59 = arith.constant 0 : i32
      %dma_wait3A_60 = tpu.memref_slice %arg4[%mul3A_2, %dma_wait3A_58, %dma_wait3A_59] : memref<64x128x64xf32, #tpu.memory_space<hbm>> -> memref<2x128x64xf32, #tpu.memory_space<hbm>>
      tpu.wait_dma2 semaphore(%run_scoped3A : memref<!tpu.dma_semaphore, #tpu.memory_space<semaphore_mem>>) src(%arg6 : memref<2x128x64xf32, #tpu.memory_space<vmem>>) dst(%dma_wait3A_60 : memref<2x128x64xf32, #tpu.memory_space<hbm>>)
      tpu.yield
    }) : () -> ()
    return
  }
}

module attributes {stable_mosaic.version = 14 : i64} {
  func.func @_project_body(%arg0: i32, %arg1: memref<1x768x1024xf32, #tpu.memory_space<vmem>>, %arg2: memref<64x768xf32, #tpu.memory_space<vmem>>, %arg3: memref<64x1xf32, #tpu.memory_space<vmem>>, %arg4: memref<64x1xf32, #tpu.memory_space<vmem>>, %arg5: memref<1x64x1024xf32, #tpu.memory_space<vmem>>) attributes {dimension_semantics = [#tpu.dimension_semantics<arbitrary>], iteration_bounds = array<i64: 8>, scalar_prefetch = 0 : i64, scratch_operands = 0 : i64, tpu.core_type = #tpu.core_type<tc>, window_params = [{transform_indices = @transform_0, window_bounds = array<i64: 1, 768, 1024>}, {pipeline_mode = #tpu.pipeline_mode<synchronous>, transform_indices = @transform_1, window_bounds = array<i64: 64, 768>}, {pipeline_mode = #tpu.pipeline_mode<synchronous>, transform_indices = @transform_2, window_bounds = array<i64: 64, 1>}, {pipeline_mode = #tpu.pipeline_mode<synchronous>, transform_indices = @transform_3, window_bounds = array<i64: 64, 1>}, {transform_indices = @transform_4, window_bounds = array<i64: 1, 64, 1024>}]} {
    %get3A = arith.constant 0 : index
    %get3A_0 = arith.constant 0 : index
    %get3A_1 = vector.load %arg2[%get3A, %get3A_0] : memref<64x768xf32, #tpu.memory_space<vmem>>, vector<64x768xf32>
    %mul3A = arith.mulf %get3A_1, %get3A_1 : vector<64x768xf32>
    %reduce_sum3A = arith.constant dense<0.000000e+00> : vector<64xf32>
    %reduce_sum3A_2 = vector.multi_reduction <add>, %mul3A, %reduce_sum3A [1] : vector<64x768xf32> to vector<64xf32>
    %broadcast_in_dim3A = vector.shape_cast %reduce_sum3A_2 : vector<64xf32> to vector<64x1xf32>
    %sqrt3A = math.sqrt %broadcast_in_dim3A : vector<64x1xf32>
    %get3A_3 = arith.constant 0 : index
    %get3A_4 = arith.constant 0 : index
    %get3A_5 = vector.load %arg3[%get3A_3, %get3A_4] : memref<64x1xf32, #tpu.memory_space<vmem>>, vector<64x1xf32>
    %mul3A_6 = vector.broadcast %get3A_5 : vector<64x1xf32> to vector<64x768xf32>
    %mul3A_7 = arith.mulf %mul3A_6, %get3A_1 : vector<64x768xf32>
    %div3A = vector.broadcast %sqrt3A : vector<64x1xf32> to vector<64x768xf32>
    %div3A_8 = arith.divf %mul3A_7, %div3A : vector<64x768xf32>
    %get3A_9 = arith.constant 0 : index
    %get3A_10 = arith.constant 0 : index
    %get3A_11 = arith.constant 0 : index
    %get3A_12 = vector.load %arg1[%get3A_9, %get3A_10, %get3A_11] : memref<1x768x1024xf32, #tpu.memory_space<vmem>>, vector<1x768x1024xf32>
    %get3A_13 = vector.shape_cast %get3A_12 : vector<1x768x1024xf32> to vector<768x1024xf32>
    %dot_general3A = arith.constant dense<0.000000e+00> : vector<64x1024xf32>
    %dot_general3A_14 = tpu.matmul %div3A_8, %get3A_13, %dot_general3A {dimension_numbers = #tpu.dot_dimension_numbers<[1], [0], [0], [1], [0, 0, 1, 1], [], []>, transpose_lhs_hint = false} : vector<64x768xf32>, vector<768x1024xf32>, vector<64x1024xf32> -> vector<64x1024xf32>
    %get3A_15 = arith.constant 0 : index
    %get3A_16 = arith.constant 0 : index
    %get3A_17 = vector.load %arg4[%get3A_15, %get3A_16] : memref<64x1xf32, #tpu.memory_space<vmem>>, vector<64x1xf32>
    %add3A = vector.broadcast %get3A_17 : vector<64x1xf32> to vector<64x1024xf32>
    %add3A_18 = arith.addf %dot_general3A_14, %add3A : vector<64x1024xf32>
    %swap3A = arith.constant 0 : index
    %swap3A_19 = arith.constant 0 : index
    %swap3A_20 = arith.constant 0 : index
    %swap3A_21 = vector.load %arg5[%swap3A, %swap3A_19, %swap3A_20] : memref<1x64x1024xf32, #tpu.memory_space<vmem>>, vector<1x64x1024xf32>
    %swap3A_22 = vector.shape_cast %swap3A_21 : vector<1x64x1024xf32> to vector<64x1024xf32>
    %swap3A_23 = vector.shape_cast %add3A_18 : vector<64x1024xf32> to vector<1x64x1024xf32>
    tpu.vector_store %arg5[%swap3A, %swap3A_19, %swap3A_20], %swap3A_23 {strides = array<i32>} : memref<1x64x1024xf32, #tpu.memory_space<vmem>>, vector<1x64x1024xf32>,
    return
  }
  func.func @transform_0(%arg0: i32) -> (i32, i32, i32) {
    %c0_i32 = arith.constant 0 : i32
    %c0_i32_0 = arith.constant 0 : i32
    %c0_i32_1 = arith.constant 0 : i32
    return %arg0, %c0_i32, %c0_i32_0 : i32, i32, i32
  }
  func.func @transform_1(%arg0: i32) -> (i32, i32) {
    %c0_i32 = arith.constant 0 : i32
    %c0_i32_0 = arith.constant 0 : i32
    %c0_i32_1 = arith.constant 0 : i32
    return %c0_i32, %c0_i32_0 : i32, i32
  }
  func.func @transform_2(%arg0: i32) -> (i32, i32) {
    %c0_i32 = arith.constant 0 : i32
    %c0_i32_0 = arith.constant 0 : i32
    %c0_i32_1 = arith.constant 0 : i32
    return %c0_i32, %c0_i32_0 : i32, i32
  }
  func.func @transform_3(%arg0: i32) -> (i32, i32) {
    %c0_i32 = arith.constant 0 : i32
    %c0_i32_0 = arith.constant 0 : i32
    %c0_i32_1 = arith.constant 0 : i32
    return %c0_i32, %c0_i32_0 : i32, i32
  }
  func.func @transform_4(%arg0: i32) -> (i32, i32, i32) {
    %c0_i32 = arith.constant 0 : i32
    %c0_i32_0 = arith.constant 0 : i32
    %c0_i32_1 = arith.constant 0 : i32
    return %arg0, %c0_i32, %c0_i32_0 : i32, i32, i32
  }
}

module attributes {stable_mosaic.version = 14 : i64} {
  func.func @_argmax_body(%arg0: i32, %arg1: i32, %arg2: memref<1x64x1024xf32, #tpu.memory_space<vmem>>, %arg3: memref<1x1x1024xf32, #tpu.memory_space<vmem>>, %arg4: memref<64x2048xf32, #tpu.memory_space<vmem>>, %arg5: memref<2048x1xf32, #tpu.memory_space<vmem>>, %arg6: memref<1x1x1024xi32, #tpu.memory_space<vmem>>, %arg7: memref<1x1024xf32, #tpu.memory_space<vmem>>, %arg8: memref<1x1024xi32, #tpu.memory_space<vmem>>) attributes {dimension_semantics = [#tpu.dimension_semantics<arbitrary>, #tpu.dimension_semantics<arbitrary>], iteration_bounds = array<i64: 8, 4>, scalar_prefetch = 0 : i64, scratch_operands = 2 : i64, tpu.core_type = #tpu.core_type<tc>, window_params = [{transform_indices = @transform_0, window_bounds = array<i64: 1, 64, 1024>}, {transform_indices = @transform_1, window_bounds = array<i64: 1, 1, 1024>}, {transform_indices = @transform_2, window_bounds = array<i64: 64, 2048>}, {transform_indices = @transform_3, window_bounds = array<i64: 2048, 1>}, {transform_indices = @transform_4, window_bounds = array<i64: 1, 1, 1024>}]} {
    %eq3A = arith.constant 0 : i32
    %eq3A_0 = arith.cmpi eq, %arg1, %eq3A : i32
    %convert_element_type3A = arith.extui %eq3A_0 : i1 to i32
    %cond3A = arith.constant 0 : i32
    %cond3A_1 = arith.cmpi ne, %convert_element_type3A, %cond3A : i32
    scf.if %cond3A_1 {
      %broadcast_in_dim3A_60 = arith.constant 0x7F800000 : f32
      %broadcast_in_dim3A_61 = vector.broadcast %broadcast_in_dim3A_60 : f32 to vector<1x1024xf32>
      %swap3A_62 = arith.constant 0 : index
      %swap3A_63 = arith.constant 0 : index
      %swap3A_64 = vector.load %arg7[%swap3A_62, %swap3A_63] : memref<1x1024xf32, #tpu.memory_space<vmem>>, vector<1x1024xf32>
      tpu.vector_store %arg7[%swap3A_62, %swap3A_63], %broadcast_in_dim3A_61 {strides = array<i32>} : memref<1x1024xf32, #tpu.memory_space<vmem>>, vector<1x1024xf32>,
      %broadcast_in_dim3A_65 = arith.constant 0 : i32
      %broadcast_in_dim3A_66 = vector.broadcast %broadcast_in_dim3A_65 : i32 to vector<1x1024xi32>
      %swap3A_67 = arith.constant 0 : index
      %swap3A_68 = arith.constant 0 : index
      %swap3A_69 = vector.load %arg8[%swap3A_67, %swap3A_68] : memref<1x1024xi32, #tpu.memory_space<vmem>>, vector<1x1024xi32>
      tpu.vector_store %arg8[%swap3A_67, %swap3A_68], %broadcast_in_dim3A_66 {strides = array<i32>} : memref<1x1024xi32, #tpu.memory_space<vmem>>, vector<1x1024xi32>,
    } else {
    }
    %get3A = arith.constant 0 : index
    %get3A_2 = arith.constant 0 : index
    %get3A_3 = vector.load %arg4[%get3A, %get3A_2] : memref<64x2048xf32, #tpu.memory_space<vmem>>, vector<64x2048xf32>
    %get3A_4 = arith.constant 0 : index
    %get3A_5 = arith.constant 0 : index
    %get3A_6 = arith.constant 0 : index
    %get3A_7 = vector.load %arg2[%get3A_4, %get3A_5, %get3A_6] : memref<1x64x1024xf32, #tpu.memory_space<vmem>>, vector<1x64x1024xf32>
    %get3A_8 = vector.shape_cast %get3A_7 : vector<1x64x1024xf32> to vector<64x1024xf32>
    %dot_general3A = arith.constant dense<0.000000e+00> : vector<2048x1024xf32>
    %dot_general3A_9 = tpu.matmul %get3A_3, %get3A_8, %dot_general3A {dimension_numbers = #tpu.dot_dimension_numbers<[0], [0], [1], [1], [0, 1, 1, 1], [], []>, transpose_lhs_hint = false} : vector<64x2048xf32>, vector<64x1024xf32>, vector<2048x1024xf32> -> vector<2048x1024xf32>
    %get3A_10 = arith.constant 0 : index
    %get3A_11 = arith.constant 0 : index
    %get3A_12 = arith.constant 0 : index
    %get3A_13 = vector.load %arg3[%get3A_10, %get3A_11, %get3A_12] : memref<1x1x1024xf32, #tpu.memory_space<vmem>>, vector<1x1x1024xf32>
    %get3A_14 = vector.shape_cast %get3A_13 : vector<1x1x1024xf32> to vector<1x1024xf32>
    %mul3A = arith.constant 2.000000e+00 : f32
    %mul3A_15 = vector.broadcast %mul3A : f32 to vector<2048x1024xf32>
    %mul3A_16 = arith.mulf %mul3A_15, %dot_general3A_9 : vector<2048x1024xf32>
    %sub3A = vector.broadcast %get3A_14 : vector<1x1024xf32> to vector<2048x1024xf32>
    %sub3A_17 = arith.subf %sub3A, %mul3A_16 : vector<2048x1024xf32>
    %get3A_18 = arith.constant 0 : index
    %get3A_19 = arith.constant 0 : index
    %get3A_20 = vector.load %arg5[%get3A_18, %get3A_19] : memref<2048x1xf32, #tpu.memory_space<vmem>>, vector<2048x1xf32>
    %add3A = vector.broadcast %get3A_20 : vector<2048x1xf32> to vector<2048x1024xf32>
    %add3A_21 = arith.addf %sub3A_17, %add3A : vector<2048x1024xf32>
    %reduce_min3A = arith.constant dense<0x7F800000> : vector<1024xf32>
    %reduce_min3A_22 = vector.multi_reduction <minimumf>, %add3A_21, %reduce_min3A [0] : vector<2048x1024xf32> to vector<1024xf32>
    %broadcast_in_dim3A = vector.shape_cast %reduce_min3A_22 : vector<1024xf32> to vector<1x1024xf32>
    %argmin3A = tpu.reduce_index %add3A_21 {axis = 0 : i32, kind = #tpu.reduction_kind<arg_min>} : vector<2048x1024xf32> -> vector<1024xi32>
    %broadcast_in_dim3A_23 = vector.shape_cast %argmin3A : vector<1024xi32> to vector<1x1024xi32>
    %mul3A_24 = arith.constant 2048 : i32
    %mul3A_25 = arith.muli %arg1, %mul3A_24 : i32
    %add3A_26 = vector.broadcast %mul3A_25 : i32 to vector<1x1024xi32>
    %add3A_27 = arith.addi %broadcast_in_dim3A_23, %add3A_26 : vector<1x1024xi32>
    %get3A_28 = arith.constant 0 : index
    %get3A_29 = arith.constant 0 : index
    %get3A_30 = vector.load %arg7[%get3A_28, %get3A_29] : memref<1x1024xf32, #tpu.memory_space<vmem>>, vector<1x1024xf32>
    %lt3A = arith.cmpf olt, %broadcast_in_dim3A, %get3A_30 : vector<1x1024xf32>
    %get3A_31 = arith.constant 0 : index
    %get3A_32 = arith.constant 0 : index
    %get3A_33 = vector.load %arg8[%get3A_31, %get3A_32] : memref<1x1024xi32, #tpu.memory_space<vmem>>, vector<1x1024xi32>
    %select_n3A = arith.select %lt3A, %add3A_27, %get3A_33 : vector<1x1024xi1>, vector<1x1024xi32>
    %swap3A = arith.constant 0 : index
    %swap3A_34 = arith.constant 0 : index
    %swap3A_35 = vector.load %arg8[%swap3A, %swap3A_34] : memref<1x1024xi32, #tpu.memory_space<vmem>>, vector<1x1024xi32>
    tpu.vector_store %arg8[%swap3A, %swap3A_34], %select_n3A {strides = array<i32>} : memref<1x1024xi32, #tpu.memory_space<vmem>>, vector<1x1024xi32>,
    %bitcast_convert_type3A = tpu.bitcast %broadcast_in_dim3A : vector<1x1024xf32> -> vector<1x1024xi32>
    %shift_right_logical3A = arith.constant 16 : i32
    %shift_right_logical3A_36 = vector.broadcast %shift_right_logical3A : i32 to vector<1x1024xi32>
    %shift_right_logical3A_37 = arith.shrui %bitcast_convert_type3A, %shift_right_logical3A_36 : vector<1x1024xi32>
    %and3A = arith.constant 1 : i32
    %and3A_38 = vector.broadcast %and3A : i32 to vector<1x1024xi32>
    %and3A_39 = arith.andi %shift_right_logical3A_37, %and3A_38 : vector<1x1024xi32>
    %add3A_40 = arith.constant 32767 : i32
    %add3A_41 = vector.broadcast %add3A_40 : i32 to vector<1x1024xi32>
    %add3A_42 = arith.addi %bitcast_convert_type3A, %add3A_41 : vector<1x1024xi32>
    %add3A_43 = arith.addi %add3A_42, %and3A_39 : vector<1x1024xi32>
    %and3A_44 = arith.constant -65536 : i32
    %and3A_45 = vector.broadcast %and3A_44 : i32 to vector<1x1024xi32>
    %and3A_46 = arith.andi %add3A_43, %and3A_45 : vector<1x1024xi32>
    %bitcast_convert_type3A_47 = tpu.bitcast %and3A_46 : vector<1x1024xi32> -> vector<1x1024xf32>
    %get3A_48 = arith.constant 0 : index
    %get3A_49 = arith.constant 0 : index
    %get3A_50 = vector.load %arg7[%get3A_48, %get3A_49] : memref<1x1024xf32, #tpu.memory_space<vmem>>, vector<1x1024xf32>
    %select_n3A_51 = arith.select %lt3A, %bitcast_convert_type3A_47, %get3A_50 : vector<1x1024xi1>, vector<1x1024xf32>
    %swap3A_52 = arith.constant 0 : index
    %swap3A_53 = arith.constant 0 : index
    %swap3A_54 = vector.load %arg7[%swap3A_52, %swap3A_53] : memref<1x1024xf32, #tpu.memory_space<vmem>>, vector<1x1024xf32>
    tpu.vector_store %arg7[%swap3A_52, %swap3A_53], %select_n3A_51 {strides = array<i32>} : memref<1x1024xf32, #tpu.memory_space<vmem>>, vector<1x1024xf32>,
    %eq3A_55 = arith.constant 3 : i32
    %eq3A_56 = arith.cmpi eq, %arg1, %eq3A_55 : i32
    %convert_element_type3A_57 = arith.extui %eq3A_56 : i1 to i32
    %cond3A_58 = arith.constant 0 : i32
    %cond3A_59 = arith.cmpi ne, %convert_element_type3A_57, %cond3A_58 : i32
    scf.if %cond3A_59 {
      %get3A_60 = arith.constant 0 : index
      %get3A_61 = arith.constant 0 : index
      %get3A_62 = vector.load %arg8[%get3A_60, %get3A_61] : memref<1x1024xi32, #tpu.memory_space<vmem>>, vector<1x1024xi32>
      %swap3A_63 = arith.constant 0 : index
      %swap3A_64 = arith.constant 0 : index
      %swap3A_65 = arith.constant 0 : index
      %swap3A_66 = vector.load %arg6[%swap3A_63, %swap3A_64, %swap3A_65] : memref<1x1x1024xi32, #tpu.memory_space<vmem>>, vector<1x1x1024xi32>
      %swap3A_67 = vector.shape_cast %swap3A_66 : vector<1x1x1024xi32> to vector<1x1024xi32>
      %swap3A_68 = vector.shape_cast %get3A_62 : vector<1x1024xi32> to vector<1x1x1024xi32>
      tpu.vector_store %arg6[%swap3A_63, %swap3A_64, %swap3A_65], %swap3A_68 {strides = array<i32>} : memref<1x1x1024xi32, #tpu.memory_space<vmem>>, vector<1x1x1024xi32>,
    } else {
    }
    return
  }
  func.func @transform_0(%arg0: i32, %arg1: i32) -> (i32, i32, i32) {
    %c0_i32 = arith.constant 0 : i32
    %c0_i32_0 = arith.constant 0 : i32
    %c0_i32_1 = arith.constant 0 : i32
    return %arg0, %c0_i32, %c0_i32_0 : i32, i32, i32
  }
  func.func @transform_1(%arg0: i32, %arg1: i32) -> (i32, i32, i32) {
    %c0_i32 = arith.constant 0 : i32
    %c0_i32_0 = arith.constant 0 : i32
    %c0_i32_1 = arith.constant 0 : i32
    return %arg0, %c0_i32, %c0_i32_0 : i32, i32, i32
  }
  func.func @transform_2(%arg0: i32, %arg1: i32) -> (i32, i32) {
    %c0_i32 = arith.constant 0 : i32
    %c0_i32_0 = arith.constant 0 : i32
    return %c0_i32, %arg1 : i32, i32
  }
  func.func @transform_3(%arg0: i32, %arg1: i32) -> (i32, i32) {
    %c0_i32 = arith.constant 0 : i32
    %c0_i32_0 = arith.constant 0 : i32
    return %arg1, %c0_i32 : i32, i32
  }
  func.func @transform_4(%arg0: i32, %arg1: i32) -> (i32, i32, i32) {
    %c0_i32 = arith.constant 0 : i32
    %c0_i32_0 = arith.constant 0 : i32
    %c0_i32_1 = arith.constant 0 : i32
    return %arg0, %c0_i32, %c0_i32_0 : i32, i32, i32
  }
}

module attributes {stable_mosaic.version = 14 : i64} {
  func.func @_decode_body(%arg0: i32, %arg1: memref<1x1024x64xf32, #tpu.memory_space<vmem>>, %arg2: memref<1x64x1024xf32, #tpu.memory_space<vmem>>, %arg3: memref<768x64xf32, #tpu.memory_space<vmem>>, %arg4: memref<768x1xf32, #tpu.memory_space<vmem>>, %arg5: memref<768x1xf32, #tpu.memory_space<vmem>>, %arg6: memref<1x768x1024xf32, #tpu.memory_space<vmem>>, %arg7: memref<1x8x128xf32, #tpu.memory_space<vmem>>, %arg8: memref<1x8x128xf32, #tpu.memory_space<vmem>>) attributes {dimension_semantics = [#tpu.dimension_semantics<arbitrary>], iteration_bounds = array<i64: 8>, scalar_prefetch = 0 : i64, scratch_operands = 0 : i64, tpu.core_type = #tpu.core_type<tc>, window_params = [{transform_indices = @transform_0, window_bounds = array<i64: 1, 1024, 64>}, {transform_indices = @transform_1, window_bounds = array<i64: 1, 64, 1024>}, {pipeline_mode = #tpu.pipeline_mode<synchronous>, transform_indices = @transform_2, window_bounds = array<i64: 768, 64>}, {pipeline_mode = #tpu.pipeline_mode<synchronous>, transform_indices = @transform_3, window_bounds = array<i64: 768, 1>}, {pipeline_mode = #tpu.pipeline_mode<synchronous>, transform_indices = @transform_4, window_bounds = array<i64: 768, 1>}, {transform_indices = @transform_5, window_bounds = array<i64: 1, 768, 1024>}, {transform_indices = @transform_6, window_bounds = array<i64: 1, 8, 128>}, {transform_indices = @transform_7, window_bounds = array<i64: 1, 8, 128>}]} {
    %get3A = arith.constant 0 : index
    %get3A_0 = arith.constant 0 : index
    %get3A_1 = vector.load %arg3[%get3A, %get3A_0] : memref<768x64xf32, #tpu.memory_space<vmem>>, vector<768x64xf32>
    %mul3A = arith.mulf %get3A_1, %get3A_1 : vector<768x64xf32>
    %reduce_sum3A = arith.constant dense<0.000000e+00> : vector<768xf32>
    %reduce_sum3A_2 = vector.multi_reduction <add>, %mul3A, %reduce_sum3A [1] : vector<768x64xf32> to vector<768xf32>
    %broadcast_in_dim3A = vector.shape_cast %reduce_sum3A_2 : vector<768xf32> to vector<768x1xf32>
    %sqrt3A = math.sqrt %broadcast_in_dim3A : vector<768x1xf32>
    %get3A_3 = arith.constant 0 : index
    %get3A_4 = arith.constant 0 : index
    %get3A_5 = vector.load %arg4[%get3A_3, %get3A_4] : memref<768x1xf32, #tpu.memory_space<vmem>>, vector<768x1xf32>
    %mul3A_6 = vector.broadcast %get3A_5 : vector<768x1xf32> to vector<768x64xf32>
    %mul3A_7 = arith.mulf %mul3A_6, %get3A_1 : vector<768x64xf32>
    %div3A = vector.broadcast %sqrt3A : vector<768x1xf32> to vector<768x64xf32>
    %div3A_8 = arith.divf %mul3A_7, %div3A : vector<768x64xf32>
    %get3A_9 = arith.constant 0 : index
    %get3A_10 = arith.constant 0 : index
    %get3A_11 = arith.constant 0 : index
    %get3A_12 = vector.load %arg1[%get3A_9, %get3A_10, %get3A_11] : memref<1x1024x64xf32, #tpu.memory_space<vmem>>, vector<1x1024x64xf32>
    %get3A_13 = vector.shape_cast %get3A_12 : vector<1x1024x64xf32> to vector<1024x64xf32>
    %dot_general3A = arith.constant dense<0.000000e+00> : vector<768x1024xf32>
    %dot_general3A_14 = tpu.matmul %div3A_8, %get3A_13, %dot_general3A {dimension_numbers = #tpu.dot_dimension_numbers<[1], [1], [0], [0], [0, 0, 1, 0], [], []>, transpose_lhs_hint = false} : vector<768x64xf32>, vector<1024x64xf32>, vector<768x1024xf32> -> vector<768x1024xf32>
    %get3A_15 = arith.constant 0 : index
    %get3A_16 = arith.constant 0 : index
    %get3A_17 = vector.load %arg5[%get3A_15, %get3A_16] : memref<768x1xf32, #tpu.memory_space<vmem>>, vector<768x1xf32>
    %add3A = vector.broadcast %get3A_17 : vector<768x1xf32> to vector<768x1024xf32>
    %add3A_18 = arith.addf %dot_general3A_14, %add3A : vector<768x1024xf32>
    %swap3A = arith.constant 0 : index
    %swap3A_19 = arith.constant 0 : index
    %swap3A_20 = arith.constant 0 : index
    %swap3A_21 = vector.load %arg6[%swap3A, %swap3A_19, %swap3A_20] : memref<1x768x1024xf32, #tpu.memory_space<vmem>>, vector<1x768x1024xf32>
    %swap3A_22 = vector.shape_cast %swap3A_21 : vector<1x768x1024xf32> to vector<768x1024xf32>
    %swap3A_23 = vector.shape_cast %add3A_18 : vector<768x1024xf32> to vector<1x768x1024xf32>
    tpu.vector_store %arg6[%swap3A, %swap3A_19, %swap3A_20], %swap3A_23 {strides = array<i32>} : memref<1x768x1024xf32, #tpu.memory_space<vmem>>, vector<1x768x1024xf32>,
    %get3A_24 = arith.constant 0 : index
    %get3A_25 = arith.constant 0 : index
    %get3A_26 = arith.constant 0 : index
    %get3A_27 = vector.load %arg2[%get3A_24, %get3A_25, %get3A_26] : memref<1x64x1024xf32, #tpu.memory_space<vmem>>, vector<1x64x1024xf32>
    %get3A_28 = vector.shape_cast %get3A_27 : vector<1x64x1024xf32> to vector<64x1024xf32>
    %dot_general3A_29 = arith.constant dense<0.000000e+00> : vector<64x64xf32>
    %dot_general3A_30 = tpu.matmul %get3A_28, %get3A_13, %dot_general3A_29 {dimension_numbers = #tpu.dot_dimension_numbers<[1], [0], [0], [1], [0, 0, 1, 1], [], []>, precision = #tpu.contract_precision<fp32>, transpose_lhs_hint = false} : vector<64x1024xf32>, vector<1024x64xf32>, vector<64x64xf32> -> vector<64x64xf32>
    %iota3A = tpu.iota {dimensions = array<i32: 0>} : vector<64x64xi32>
    %iota3A_31 = tpu.iota {dimensions = array<i32: 1>} : vector<64x64xi32>
    %eq3A = arith.cmpi eq, %iota3A, %iota3A_31 : vector<64x64xi32>
    %jit3A = arith.constant 0.000000e+00 : f32
    %broadcast_in_dim3A_32 = vector.broadcast %jit3A : f32 to vector<64x64xf32>
    %select_n3A = arith.select %eq3A, %dot_general3A_30, %broadcast_in_dim3A_32 : vector<64x64xi1>, vector<64x64xf32>
    %reduce_sum3A_33 = vector.shape_cast %select_n3A : vector<64x64xf32> to vector<1x64x64xf32>
    %reduce_sum3A_34 = arith.constant dense<0.000000e+00> : vector<1xf32>
    %reduce_sum3A_35 = vector.multi_reduction <add>, %reduce_sum3A_33, %reduce_sum3A_34 [1, 2] : vector<1x64x64xf32> to vector<1xf32>
    %reduce_sum3A_36 = vector.shape_cast %reduce_sum3A_35 : vector<1xf32> to vector<1x1x1xf32>
    %reduce_sum3A_37 = vector.extract %reduce_sum3A_36[0, 0, 0] : f32 from vector<1x1x1xf32>
    %mul3A_38 = arith.mulf %get3A_28, %get3A_28 : vector<64x1024xf32>
    %reduce_sum3A_39 = vector.shape_cast %mul3A_38 : vector<64x1024xf32> to vector<1x64x1024xf32>
    %reduce_sum3A_40 = arith.constant dense<0.000000e+00> : vector<1xf32>
    %reduce_sum3A_41 = vector.multi_reduction <add>, %reduce_sum3A_39, %reduce_sum3A_40 [1, 2] : vector<1x64x1024xf32> to vector<1xf32>
    %reduce_sum3A_42 = vector.shape_cast %reduce_sum3A_41 : vector<1xf32> to vector<1x1x1xf32>
    %reduce_sum3A_43 = vector.extract %reduce_sum3A_42[0, 0, 0] : f32 from vector<1x1x1xf32>
    %mul3A_44 = arith.mulf %get3A_13, %get3A_13 : vector<1024x64xf32>
    %reduce_sum3A_45 = vector.shape_cast %mul3A_44 : vector<1024x64xf32> to vector<1x1024x64xf32>
    %reduce_sum3A_46 = arith.constant dense<0.000000e+00> : vector<1xf32>
    %reduce_sum3A_47 = vector.multi_reduction <add>, %reduce_sum3A_45, %reduce_sum3A_46 [1, 2] : vector<1x1024x64xf32> to vector<1xf32>
    %reduce_sum3A_48 = vector.shape_cast %reduce_sum3A_47 : vector<1xf32> to vector<1x1x1xf32>
    %reduce_sum3A_49 = vector.extract %reduce_sum3A_48[0, 0, 0] : f32 from vector<1x1x1xf32>
    %add3A_50 = arith.addf %reduce_sum3A_43, %reduce_sum3A_49 : f32
    %mul3A_51 = arith.constant 2.000000e+00 : f32
    %mul3A_52 = arith.mulf %mul3A_51, %reduce_sum3A_37 : f32
    %sub3A = arith.subf %add3A_50, %mul3A_52 : f32
    %div3A_53 = arith.constant 6.553600e+04 : f32
    %div3A_54 = arith.divf %sub3A, %div3A_53 : f32
    %mul3A_55 = arith.constant 5.000000e-03 : f32
    %mul3A_56 = arith.mulf %div3A_54, %mul3A_55 : f32
    %broadcast_in_dim3A_57 = vector.broadcast %mul3A_56 : f32 to vector<8x128xf32>
    %swap3A_58 = arith.constant 0 : index
    %swap3A_59 = arith.constant 0 : index
    %swap3A_60 = arith.constant 0 : index
    %swap3A_61 = vector.load %arg7[%swap3A_58, %swap3A_59, %swap3A_60] : memref<1x8x128xf32, #tpu.memory_space<vmem>>, vector<1x8x128xf32>
    %swap3A_62 = vector.shape_cast %swap3A_61 : vector<1x8x128xf32> to vector<8x128xf32>
    %swap3A_63 = vector.shape_cast %broadcast_in_dim3A_57 : vector<8x128xf32> to vector<1x8x128xf32>
    tpu.vector_store %arg7[%swap3A_58, %swap3A_59, %swap3A_60], %swap3A_63 {strides = array<i32>} : memref<1x8x128xf32, #tpu.memory_space<vmem>>, vector<1x8x128xf32>,
    %mul3A_64 = arith.constant 1.000000e+00 : f32
    %mul3A_65 = arith.mulf %div3A_54, %mul3A_64 : f32
    %broadcast_in_dim3A_66 = vector.broadcast %mul3A_65 : f32 to vector<8x128xf32>
    %swap3A_67 = arith.constant 0 : index
    %swap3A_68 = arith.constant 0 : index
    %swap3A_69 = arith.constant 0 : index
    %swap3A_70 = vector.load %arg8[%swap3A_67, %swap3A_68, %swap3A_69] : memref<1x8x128xf32, #tpu.memory_space<vmem>>, vector<1x8x128xf32>
    %swap3A_71 = vector.shape_cast %swap3A_70 : vector<1x8x128xf32> to vector<8x128xf32>
    %swap3A_72 = vector.shape_cast %broadcast_in_dim3A_66 : vector<8x128xf32> to vector<1x8x128xf32>
    tpu.vector_store %arg8[%swap3A_67, %swap3A_68, %swap3A_69], %swap3A_72 {strides = array<i32>} : memref<1x8x128xf32, #tpu.memory_space<vmem>>, vector<1x8x128xf32>,
    return
  }
  func.func @transform_0(%arg0: i32) -> (i32, i32, i32) {
    %c0_i32 = arith.constant 0 : i32
    %c0_i32_0 = arith.constant 0 : i32
    %c0_i32_1 = arith.constant 0 : i32
    return %arg0, %c0_i32, %c0_i32_0 : i32, i32, i32
  }
  func.func @transform_1(%arg0: i32) -> (i32, i32, i32) {
    %c0_i32 = arith.constant 0 : i32
    %c0_i32_0 = arith.constant 0 : i32
    %c0_i32_1 = arith.constant 0 : i32
    return %arg0, %c0_i32, %c0_i32_0 : i32, i32, i32
  }
  func.func @transform_2(%arg0: i32) -> (i32, i32) {
    %c0_i32 = arith.constant 0 : i32
    %c0_i32_0 = arith.constant 0 : i32
    %c0_i32_1 = arith.constant 0 : i32
    return %c0_i32, %c0_i32_0 : i32, i32
  }
  func.func @transform_3(%arg0: i32) -> (i32, i32) {
    %c0_i32 = arith.constant 0 : i32
    %c0_i32_0 = arith.constant 0 : i32
    %c0_i32_1 = arith.constant 0 : i32
    return %c0_i32, %c0_i32_0 : i32, i32
  }
  func.func @transform_4(%arg0: i32) -> (i32, i32) {
    %c0_i32 = arith.constant 0 : i32
    %c0_i32_0 = arith.constant 0 : i32
    %c0_i32_1 = arith.constant 0 : i32
    return %c0_i32, %c0_i32_0 : i32, i32
  }
  func.func @transform_5(%arg0: i32) -> (i32, i32, i32) {
    %c0_i32 = arith.constant 0 : i32
    %c0_i32_0 = arith.constant 0 : i32
    %c0_i32_1 = arith.constant 0 : i32
    return %arg0, %c0_i32, %c0_i32_0 : i32, i32, i32
  }
  func.func @transform_6(%arg0: i32) -> (i32, i32, i32) {
    %c0_i32 = arith.constant 0 : i32
    %c0_i32_0 = arith.constant 0 : i32
    %c0_i32_1 = arith.constant 0 : i32
    return %arg0, %c0_i32, %c0_i32_0 : i32, i32, i32
  }
  func.func @transform_7(%arg0: i32) -> (i32, i32, i32) {
    %c0_i32 = arith.constant 0 : i32
    %c0_i32_0 = arith.constant 0 : i32
    %c0_i32_1 = arith.constant 0 : i32
    return %arg0, %c0_i32, %c0_i32_0 : i32, i32, i32
  }
}

</mosaic_0001>

<sc_bundles>
// kernel: kernel.6.cloned.1.call-start
scs
__scs_entry_jumppad:
0x0: {  	(pc) =	sbr.rel $0x88, $3  }
0x1: {  	(tag) =	ssettag $0x0;
	lr =	simm.s32 $0x1  }
0x2: {  	[smem:$0x3F99] =	sst lr;
	_ =	strace $0xD0000000  }
0x3: {  	_ = 	snop  }
0x4: {  	_ = 	snop  }
0x5: {  	_ = 	snop  }
0x6: {  	_ = 	snop  }
0x7: {  	_ = 	snop  }
__scs_overlays_trampoline_lowered:
0x8: {  	[smem:$0x3FA8] =	sst s0  }
0x9: {  	[smem:$0x3FA9] =	sst s1  }
0xa: {  	[smem:$0x3FAA] =	sst s2  }
0xb: {  	[smem:$0x3FAB] =	sst s3  }
0xc: {  	[smem:$0x3FAC] =	sst s4  }
0xd: {  	[smem:$0x3FAD] =	sst s5  }
0xe: {  	[smem:$0x3FAE] =	sst s6  }
0xf: {  	[smem:$0x3FAF] =	sst s7  }
0x10: {  	[smem:$0x3FB0] =	sst s8  }
0x11: {  	[smem:$0x3FB1] =	sst s9;
	s0 =	simm.s32 @!p0 $0x0  }
0x12: {  	s1 =	sld [smem:$0x3F97];
	s0 =	simm.s32 @p0 $0x1  }
0x13: {  	[smem:$0x3FB2] =	sst s0;
	s0 =	simm.s32 @!p1 $0x0  }
0x14: {  	s2 =	sld [smem:$0x3F96];
	s0 =	simm.s32 @p1 $0x1  }
0x15: {  	[smem:$0x3FB3] =	sst s0;
	s0 =	simm.s32 @!p2 $0x0  }
0x16: {  	s3 =	sld [smem:$0x3FDB];
	s0 =	simm.s32 @p2 $0x1  }
0x17: {  	s4 =	simm.s32 $0x1BF5;
	[smem:$0x3FB5] =	sst s0  }
0x18: {  	s0 =	sld [smem:$0x3F98];
	_ =	swait.ge [sflag:s4], $0x0  }
0x19: {  	s7 =	sld [smem:$0x3F99]  }
0x1a: {  	s8 =	sadd.s32 $0xFFFFE003, lr  }
0x1b: {  	s9 =	sadd.s32 $0xFFFFFEF7, lr;
	s5 =	simm.s32 $0xFFFFFFFF;
	p2 =	slt.u32 s8, $0xFFFFF086  }
0x1c: {  	p1 =	slt.u32 s9, $0xF7A;
	s5 =	simm.s32 @!p2 $0x0  }
0x1d: {  	s5 =	simm.s32 @p1 $0x1;
	p0 =	seq.s32 s7, s2  }
0x1e: {  	s7 =	smul.u32 @!p0 $0xF7A, s2;
	p2 =	seq.s32 @!p0 s5, $0x0  }
0x1f: {  	s9 =	smul.u32 $0xF7A, s1;
	s8 =	simm.s32 @!p0 $0x1BF5;
	p2 =	por !p2, p0  }
0x20: {  	[sflag:s8] =	ssyncset.s32 @!p0 $0xFFFFF086;
	s6 =	sadd.s32 @!p0 s3, s7;
	s7 =	simm.s32 @!p0 $0x108  }
0x21: {  	s3 =	sadd.s32 s3, s9;
	s6 =	sadd.s32 @!p0 $0x88, s6;
	s7 =	simm.s32 @p2 $0x1082  }
0x22: {  	[simem:s7], [sflag:s8] =	dma.local @!p0 [hbm:s6], $0xF7A  }
0x23: {  	s9 =	sor.u32 $0xD0000000, s2;
	s6 =	simm.s32 $0x108;
	_ =	swait.ge @!p0 [sflag:s8], $0x0  }
0x24: {  	s3 =	sadd.s32 $0x88, s3;
	s6 =	simm.s32 @!p1 $0x1082;
	[sflag:s4] =	ssyncset.s32 $0xFFFFF086  }
0x25: {  	[simem:s6], [sflag:s4] =	dma.local [hbm:s3], $0xF7A  }
0x26: {  	[smem:$0x3F99] =	sst s1;
	(tag) =	ssettag s2;
	_ =	strace s9  }
0x27: {  	s1 =	sld [smem:$0x3FA9]  }
0x28: {  	s2 =	sld [smem:$0x3FAA]  }
0x29: {  	s4 =	sld [smem:$0x3FAC]  }
0x2a: {  	p0 =	seq.s32 s5, $0x0;
	s5 =	sld [smem:$0x3FAD]  }
0x2b: {  	s6 =	sld [smem:$0x3FAE]  }
0x2c: {  	s7 =	sld [smem:$0x3FAF]  }
0x2d: {  	s3 =	simm.s32 $0x108;
	s8 =	sld [smem:$0x3FB0]  }
0x2e: {  	s3 =	simm.s32 @!p0 $0x1082;
	s9 =	sld [smem:$0x3FB1]  }
0x2f: {  	lr =	sadd.s32 s0, s3;
	s0 =	sld [smem:$0x3FA8]  }
0x30: {  	s3 =	sld [smem:$0x3FAB]  }
0x31: {  	[smem:$0x3FB4] =	sst s10  }
0x32: {  	s10 =	sld [smem:$0x3FB2];
	_ =	sdelay $0x3  }
0x33: {  	p0 =	seq.s32 s10, $0x1;
	s10 =	sld [smem:$0x3FB4];
	_ =	sdelay $0x3  }
0x34: {  	[smem:$0x3FB4] =	sst s10  }
0x35: {  	s10 =	sld [smem:$0x3FB3];
	_ =	sdelay $0x3  }
0x36: {  	p1 =	seq.s32 s10, $0x1;
	s10 =	sld [smem:$0x3FB4];
	_ =	sdelay $0x3  }
0x37: {  	[smem:$0x3FB4] =	sst s10  }
0x38: {  	s10 =	sld [smem:$0x3FB5]  }
0x39: {  	_ = 	snop;
	(pc) =	sbr.ind lr, $3  }
0x3a: {  	_ = 	snop  }
0x3b: {  	_ = 	snop  }
0x3c: {  	p2 =	seq.s32 s10, $0x1;
	s10 =	sld [smem:$0x3FB4]  }
0x3d: {  	_ =	shalt  }
0x3e: {  	_ =	shalt  }
0x3f: {  	_ =	shalt  }
0x40: {  	_ =	shalt  }
0x41: {  	_ =	shalt  }
0x42: {  	_ =	shalt  }
0x43: {  	_ =	shalt  }
0x44: {  	_ =	shalt  }
0x45: {  	_ =	shalt  }
0x46: {  	_ =	shalt  }
0x47: {  	_ =	shalt  }
0x48: {  	_ =	shalt  }
0x49: {  	_ =	shalt  }
0x4a: {  	_ =	shalt  }
0x4b: {  	_ =	shalt  }
0x4c: {  	_ =	shalt  }
0x4d: {  	_ =	shalt  }
0x4e: {  	_ =	shalt  }
0x4f: {  	_ =	shalt  }
0x50: {  	_ =	shalt  }
0x51: {  	_ =	shalt  }
0x52: {  	_ =	shalt  }
0x53: {  	_ =	shalt  }
0x54: {  	_ =	shalt  }
0x55: {  	_ =	shalt  }
0x56: {  	_ =	shalt  }
0x57: {  	_ =	shalt  }
0x58: {  	_ =	shalt  }
0x59: {  	_ =	shalt  }
0x5a: {  	_ =	shalt  }
0x5b: {  	_ =	shalt  }
0x5c: {  	_ =	shalt  }
0x5d: {  	_ =	shalt  }
0x5e: {  	_ =	shalt  }
0x5f: {  	_ =	shalt  }
0x60: {  	_ =	shalt  }
0x61: {  	_ =	shalt  }
0x62: {  	_ =	shalt  }
0x63: {  	_ =	shalt  }
0x64: {  	_ =	shalt  }
0x65: {  	_ =	shalt  }
0x66: {  	_ =	shalt  }
0x67: {  	_ =	shalt  }
0x68: {  	_ =	shalt  }
0x69: {  	_ =	shalt  }
0x6a: {  	_ =	shalt  }
0x6b: {  	_ =	shalt  }
0x6c: {  	_ =	shalt  }
0x6d: {  	_ =	shalt  }
0x6e: {  	_ =	shalt  }
0x6f: {  	_ =	shalt  }
0x70: {  	_ =	shalt  }
0x71: {  	_ =	shalt  }
0x72: {  	_ =	shalt  }
0x73: {  	_ =	shalt  }
0x74: {  	_ =	shalt  }
0x75: {  	_ =	shalt  }
0x76: {  	_ =	shalt  }
0x77: {  	_ =	shalt  }
0x78: {  	_ =	shalt  }
0x79: {  	_ =	shalt  }
0x7a: {  	_ =	shalt  }
0x7b: {  	_ =	shalt  }
0x7c: {  	_ =	shalt  }
0x7d: {  	_ =	shalt  }
0x7e: {  	_ =	shalt  }
0x7f: {  	_ =	shalt  }
0x80: {  	_ =	shalt  }
0x81: {  	_ =	shalt  }
0x82: {  	_ =	shalt  }
0x83: {  	_ =	shalt  }
0x84: {  	_ =	shalt  }
0x85: {  	_ =	shalt  }
0x86: {  	_ =	shalt  }
0x87: {  	_ =	shalt  }
.Lfunc_end0:
.L_simem_size_0:
called_computation_lowered:
.L_overlay_start_0:
0x88: {  	s2 =	sld [smem:$0x3FD9]  }
0x89: {  	s3 =	sld [smem:$0x3FFE];
	_ =	sdelay $0x1  }
0x8a: {  	s1 =	srdreg.scid  }
0x8b: {  	s0 =	sand.u32 $0x1, s1  }
0x8c: {  	s14 =	sshll.u32 s0, $0xA;
	s2 =	sadd.s32 s3, s2  }
0x8d: {  	s2 =	sadd.s32 s2, s14  }
0x8e: {  	[smem:$0x3FC0] =	sst s2  }
0x8f: {  	_ = 	snop  }
0x90: {  	s2 =	sld [smem:$0x3FD0];
	_ =	sdelay $0x2  }
0x91: {  	s15 =	simm.s32 $0xA;
	s4 =	simm.s32 $0x10  }
0x92: {  	[smem:s4], [sflag:s15] =	dma.local [hbm:s2], $0x1  }
0x93: {  	_ =	swait.eq [sflag:s15], $0x1  }
0x94: {  	[sflag:s15] =	ssyncset.done $0x0  }
0x95: {  	[sflag:s15] =	ssyncadd.s32 $0xFFFFFFFF  }
0x96: {  	s16 =	sld [smem:$0x10];
	(tm) =	ssettm $0x1  }
0x97: {  	s17 =	sld [smem:$0x3FFB];
	_ =	sdelay $0x3  }
0x98: {  	_ =	strace s17  }
0x99: {  	s3 =	sld [smem:$0x3FFC];
	_ =	sdelay $0x3  }
0x9a: {  	_ =	strace s3  }
0x9b: {  	s3 =	sld [smem:$0x3FFD];
	_ =	sdelay $0x3  }
0x9c: {  	_ =	strace s3  }
0x9d: {  	_ =	strace $0x8FFFFFFF  }
0x9e: {  	s18 =	sld [smem:$0x3FDB];
	_ =	sdelay $0x1  }
0x9f: {  	s19 =	simm.s32 $_scs_section_size  }
0xa0: {  	s5 =	simm.s32 $_size__tile_overlayer_lowered;
	s6 =	simm.s32 $_tile_overlayer_lowered  }
0xa1: {  	s22 =	simm.s32 $0x1BFF;
	s21 =	sshll.u32 s6, $0x1;
	s3 =	sadd.s32 s19, s18  }
0xa2: {  	s7 =	simm.s32 $0x0;
	s20 =	sshll.u32 s5, $0x1;
	s5 =	sadd.s32 s21, s3  }
0xa3: {  	[timem:s7], [sflag:s22] =	dma.local [hbm:s5], s20  }
0xa4: {  	_ =	swait.ge [sflag:s22], s20  }
0xa5: {  	s4 =	ssub.s32 $0x0, s20;
	[sflag:s22] =	ssyncset.done $0x0  }
0xa6: {  	[sflag:s22] =	ssyncadd.s32 s4;
	_ =	sdelay $0x1  }
0xa7: {  	s23 =	simm.s32 $0x1B8B  }
0xa8: {  	_ =	swait.ge [sflag:s23], $0x1  }
0xa9: {  	[sflag:s23] =	ssyncset.done $0x0  }
0xaa: {  	s25 =	simm.s32 $0x1B8E;
	s24 =	sld [smem:$0x3FFE];
	[sflag:s23] =	ssyncadd.s32 $0xFFFFFFFF  }
0xab: {  	s26 =	simm.s32 $execute0_lowered;
	[smem:$0x3FD2] =	sst s25  }
0xac: {  	s5 =	sshll.u32 s26, $0x1;
	_ =	strace $0x80000046;
	[dreg:$0x1] =	wrdreg $0xFFFFFFFF  }
0xad: {  	s28 =	simm.s32 $_size_execute0_lowered;
	s3 =	sadd.s32 s3, s5;
	[dreg:$0x0] =	wrdreg $0x0  }
0xae: {  	s5 =	sshll.u32 s28, $0x1;
	[dreg:$0x2] =	wrdreg s3  }
0xaf: {  	[dreg:$0x3] =	wrdreg s5  }
0xb0: {  	[dreg:$0x4] =	wrdreg $0xC0  }
0xb1: {  	_ =	task [dreg:s7], $0x5FFFF  }
0xb2: {  	[dreg:$0x1] =	wrdreg $0xFFFFFFFF  }
0xb3: {  	[dreg:$0x0] =	wrdreg $0x60  }
0xb4: {  	[dreg:$0x2] =	wrdreg s16  }
0xb5: {  	[dreg:$0x3] =	wrdreg s24  }
0xb6: {  	[dreg:$0x4] =	wrdreg $0x9  }
0xb7: {  	_ =	task.clear_ibuf [dreg:s7], $0x5FFFF;
	_ =	strace $0x90000046  }
0xb8: {  	s29 =	simm.s32 $0x9;
	_ =	strace $0x80000048  }
0xb9: {  	_ =	swait.ge [sflag:s29], $0x1  }
0xba: {  	[sflag:s29] =	ssyncadd.s32 $0xFFFFFFFF  }
0xbb: {  	_ =	strace $0x90000048  }
0xbc: {  	_ =	sfence  }
0xbd: {  	s30 =	sld [smem:$0x0];
	_ =	sdelay $0x2  }
0xbe: {  	s31 =	sshll.u32 s1, $0xD;
	s1 =	sshrl.u32 s1, $0x2  }
0xbf: {  	s3 =	sand.u32 $0x4000, s31;
	s1 =	sadd.s32 s1, s30  }
0xc0: {  	s0 =	sor.u32 s3, s0;
	s1 =	sshll.u32 s1, $0x11  }
0xc1: {  	s0 =	sor.u32 s1, s0  }
0xc2: {  	s0 =	sadd.s32 $0x8F2B, s0  }
0xc3: {  	[sflag:s0] =	ssyncadd.remote.s32 $0x1  }
0xc4: {  	_ =	sfence.sel $0xFFFF  }
0xc5: {  	[dreg:$0x0] =	wrdreg $0xFFFFFFFF;
	(pc) =	sbr.abs _section_cstart, $3  }
0xc6: {  	[dreg:$0x1] =	wrdreg $0xFFFFFFFF  }
0xc7: {  	_ =	task.clear_ibuf [dreg:s7], $0x2FFFF;
	_ =	strace $0x9FFFFFFF  }
0xc8: {  	(tm) =	ssettm $0x7FFFFFFF  }
0xc9: {  	_ =	shalt  }
tec
execute0_lowered:
.L_overlay_start_1:
0x0: {  	(tag) =	ssettag $0x1  }
0x1: {  	s1 =	srdreg.scid  }
0x2: {  	s2 =	rddreg [dreg:$0x0];
	s0 =	stileid.u32;
	s10 =	sand.u32 $0x1, s1  }
0x3: {  	s11 =	rddreg [dreg:$0x1];
	s4 =	sshll.u32 s0, $0x2;
	s5 =	sshll.u32 s10, $0x1  }
0x4: {  	s3 =	simm.s32 $0x0;
	s1 =	rddreg [dreg:$0x2];
	s12 =	sor.u32 s5, s4  }
0x5: {  	[smem:$0x7FF] =	sst s3;
	s4 =	sshll.u32 s12, $0x4  }
0x6: {  	_ =	strace $0x80000047;
	s5 =	sadd.s32 s11, s4;
	s4 =	simm.s32 $0x2  }
0x7: {  	[tilespmem:s3], [sflag:$0x2] =	stream.linear.gather [hbm4b:s5+s3], $0x100, $0x38;
	[tilespmem:$0x4100] =	vst v63  }
0x8: {  	_ =	swait.ge [sflag:s4], $0x100  }
0x9: {  	[sflag:s4] =	ssyncset.done $0x0  }
0xa: {  	s6 =	simm.s32 $0x80;
	s7 =	simm.s32 $0x100;
	[sflag:s4] =	ssyncadd.s32 $0xFFFFFF00  }
0xb: {  	[tilespmem:s7], [sflag:$0x1] =	stream.indirect.gather [hbm4b:s2+s6], $0x40, s3, s6, $0xb8;
	[tilespmem:$0x4100] =	vst v63  }
0xc: {  	s8 =	simm.s32 $0x2100;
	s9 =	simm.s32 $0x1;
	s10 =	ssub.s32 $0x2, s10  }
0xd: {  	[tilespmem:s8], [sflag:$0x1] =	stream.indirect.gather [hbm4b:s2+s6], $0x40, s6, s6, $0xb8;
	[tilespmem:$0x4100] =	vst v63  }
0xe: {  	s13 =	sshrl.u32 s10, $0x1;
	_ =	swait.ge [sflag:s9], $0x2000  }
0xf: {  	s30 =	ssub.s32 s10, s13;
	[sflag:s9] =	ssyncset.done $0x0  }
0x10: {  	s31 =	smax.u32 s30, $0x1;
	[sflag:s9] =	ssyncadd.s32 $0xFFFFE000  }
0x11: {  	s12 =	sshll.u32 s12, $0xA;
	p0 =	sne.s32 s31, $0x1;
	_ =	swait.ge [sflag:s9], $0x2000  }
.Ltmp0:
0x12: {  	s11 =	sadd.s32 s12, s11;
	[sflag:s9] =	ssyncset.done $0x0;
	(pc) =	sbr.rel @!p0 .LBB2_2-.Ltmp0, $4  }
0x13: {  	s10 =	sadd.s32 $0x400, s11;
	[sflag:s9] =	ssyncadd.s32 $0xFFFFE000  }
0x14: {  	[hbm4b:s10+s3] =	stream.linear.scatter [tilespmem:s7], [sflag:$0x2], $0x4000, $0x38;
	[tilespmem:$0x4100] =	vst v63  }
0x15: {  	_ =	swait.ge [sflag:s4], $0x4000  }
0x16: {  	s11 =	sadd.s32 $0xFFFFFFFF, s31;
	[sflag:s4] =	ssyncset.done $0x0  }
.LBB2_1:
0x17: {  	p0 =	sne.s32 s11, $0x1;
	s11 =	sadd.s32 $0xFFFFFFFF, s11;
	[sflag:s4] =	ssyncadd.s32 $0xFFFFC000  }
0x18: {  	[tilespmem:s3], [sflag:$0x2] =	stream.linear.gather [hbm4b:s5+s3], $0x100, $0x38;
	[tilespmem:$0x4100] =	vst v63  }
0x19: {  	_ =	swait.ge [sflag:s4], $0x100  }
0x1a: {  	[sflag:s4] =	ssyncset.done $0x0  }
0x1b: {  	[sflag:s4] =	ssyncadd.s32 $0xFFFFFF00  }
0x1c: {  	[tilespmem:s7], [sflag:$0x1] =	stream.indirect.gather [hbm4b:s2+s6], $0x40, s3, s6, $0xb8;
	[tilespmem:$0x4100] =	vst v63  }
0x1d: {  	_ = 	snop  }
0x1e: {  	[tilespmem:s8], [sflag:$0x1] =	stream.indirect.gather [hbm4b:s2+s6], $0x40, s6, s6, $0xb8;
	[tilespmem:$0x4100] =	vst v63  }
0x1f: {  	_ =	swait.ge [sflag:s9], $0x2000  }
0x20: {  	[sflag:s9] =	ssyncset.done $0x0  }
0x21: {  	[sflag:s9] =	ssyncadd.s32 $0xFFFFE000  }
0x22: {  	_ =	swait.ge [sflag:s9], $0x2000  }
.Ltmp1:
0x23: {  	[sflag:s9] =	ssyncset.done $0x0;
	(pc) =	sbr.rel @p0 .LBB2_1-.Ltmp1, $4  }
0x24: {  	[sflag:s9] =	ssyncadd.s32 $0xFFFFE000  }
0x25: {  	[hbm4b:s10+s3] =	stream.linear.scatter [tilespmem:s7], [sflag:$0x2], $0x4000, $0x38;
	[tilespmem:$0x4100] =	vst v63  }
0x26: {  	_ =	swait.ge [sflag:s4], $0x4000  }
0x27: {  	[sflag:s4] =	ssyncset.done $0x0  }
.LBB2_2:
0x28: {  	[sflag:s4] =	ssyncadd.s32 $0xFFFFC000  }
0x29: {  	_ =	sfence.sel $0x180000  }
0x2a: {  	[bflag:$0x0] =	sbarrier.arrive $0xFFFF  }
0x2b: {  	p0 =	sne.s32 s0, $0x0;
	_ =	strace $0x90000047  }
0x2c: {  	s0 =	sadd.s32 @!p0 $0x100000, s1;
	[bflag:$0x2] =	sbarrier.arrive $0xFFFF  }
0x2d: {  	[sflag:s0] =	ssyncadd.tile.s32 @!p0 $0x1;
	_ =	shalt  }
.Lfunc_end2:
_tile_overlayer_lowered:
.L_overlay_start_2:
0x2e: {  	(tag) =	ssettag $0x2  }
0x2f: {  	s0 =	rddreg [dreg:$0x0];
	s2 =	stileid.u32  }
0x30: {  	s1 =	rddreg [dreg:$0x1];
	p0 =	sne.s32 s2, $0x0  }
0x31: {  	s3 =	rddreg [dreg:$0x2];
	[bflag:$0x3] =	sbarrier.arrive $0xFFFF;
	s2 =	simm.s32 @!p0 $0x1C02  }
0x32: {  	[timem:s3], [sflag:s2] =	dma.local @!p0 [hbm:s0], s1  }
0x33: {  	s0 =	simm.s32 @!p0 $0x2  }
0x34: {  	_ =	swait.ge @!p0 [sflag:s0], s1  }
0x35: {  	s1 =	ssub.s32 @!p0 $0x0, s1;
	[sflag:s0] =	ssyncset.done @!p0 $0x0  }
0x36: {  	[sflag:s0] =	ssyncadd.s32 @!p0 s1  }
0x37: {  	[bflag:$0x3] =	sbarrier.arrive $0xFFFF  }
0x38: {  	_ =	shalt  }

</sc_bundles>
